<compile_context>
chip_gen: v7x
topology: tpu7x:2x2x1
jax: 0.10.2.dev20260603
libtpu: 0.0.44.dev20260713+nightly
codegen_flags: <defaults>
</compile_context>

<pallas_src>
import jax
import jax.numpy as jnp
from jax import lax
from jax.experimental import pallas as pl
from jax.experimental.pallas import tpu as pltpu
from jax.experimental.pallas import tpu_sc as plsc

N_NODES = 10000
N_EDGES = 320000
D_FEAT = 128
HIDDEN = 128
N_CLASSES = 2

NC = 2
NS = 16
NW = NC * NS

CK = 128
CHUNKS = 79
E_PAD = CHUNKS * NW * CK
L = 16

N_PAD = 10240
ROWS_PER_TILE = N_PAD // NS


BT = 1024


def _tc_body(agg_ref, cnt_ref, w1_ref, b1_ref, w2_ref, b2_ref, out_ref):
  agg = agg_ref[0] + agg_ref[1]
  deg = jnp.sum(jnp.transpose(cnt_ref[...]), axis=1, keepdims=True)
  agg = agg / jnp.maximum(deg, 1.0)
  h = jnp.dot(agg, w1_ref[...], preferred_element_type=jnp.float32)
  h = jnp.maximum(h + b1_ref[...], 0.0)
  logits = jnp.dot(h, w2_ref[...], preferred_element_type=jnp.float32)
  logits = logits + b2_ref[...]
  m = jnp.max(logits, axis=1, keepdims=True)
  lse = m + jnp.log(jnp.sum(jnp.exp(logits - m), axis=1, keepdims=True))
  out_ref[...] = logits - lse


def _sc_body(edge_hbm, x_hbm, zagg_hbm,
             agg_out, cnt_out,
             edge_v, rows_v, cnt_v, agg_sh):
  cid = lax.axis_index("c")
  sid = lax.axis_index("s")
  wid = cid * NS + sid

  row0 = sid * ROWS_PER_TILE
  pltpu.sync_copy(zagg_hbm.at[pl.ds(row0, ROWS_PER_TILE)],
                  agg_sh.at[pl.ds(row0, ROWS_PER_TILE)])

  zvec = jnp.zeros((L,), jnp.float32)

  @pl.loop(0, N_PAD // L)
  def _zero_cnt(i):
    cnt_v[pl.ds(i * L, L)] = zvec

  plsc.subcore_barrier()

  ones16 = jnp.ones((L,), jnp.float32)

  @pl.loop(0, CHUNKS)
  def _edge_chunk(c):
    off = (c * NW + wid) * CK
    pltpu.sync_copy(edge_hbm.at[:, pl.ds(off, CK)], edge_v)
    pltpu.sync_copy(x_hbm.at[edge_v.at[0]], rows_v)
    pltpu.sync_copy(rows_v, agg_sh.at[edge_v.at[1]], add=True)
    for j in range(CK // L):
      idx = edge_v[1, pl.ds(j * L, L)]
      plsc.addupdate_scatter(cnt_v, [idx], ones16)

  plsc.subcore_barrier()

  pltpu.sync_copy(agg_sh.at[pl.ds(row0, ROWS_PER_TILE)],
                  agg_out.at[cid, pl.ds(row0, ROWS_PER_TILE)])
  pltpu.sync_copy(cnt_v, cnt_out.at[wid])


@jax.jit
def kernel(x, edge_index, W1, b1, W2, b2):
  edges = edge_index.astype(jnp.int32)
  pad = jnp.concatenate(
      [jnp.zeros((1, E_PAD - N_EDGES), jnp.int32),
       jnp.full((1, E_PAD - N_EDGES), N_NODES, jnp.int32)], 0)
  edges = jnp.concatenate([edges, pad], 1)

  zagg = jnp.zeros((N_PAD, D_FEAT), jnp.float32)

  mesh = plsc.VectorSubcoreMesh(core_axis_name="c", subcore_axis_name="s")
  agg_parts, cnt_parts = pl.kernel(
      _sc_body,
      out_type=(
          jax.ShapeDtypeStruct((NC, N_PAD, D_FEAT), jnp.float32),
          jax.ShapeDtypeStruct((NW, N_PAD), jnp.float32),
      ),
      mesh=mesh,
      compiler_params=pltpu.CompilerParams(needs_layout_passes=False),
      scratch_types=[
          pltpu.VMEM((2, CK), jnp.int32),
          pltpu.VMEM((CK, D_FEAT), jnp.float32),
          pltpu.VMEM((N_PAD,), jnp.float32),
          pltpu.VMEM_SHARED((N_PAD, D_FEAT), jnp.float32),
      ],
  )(edges, x, zagg)

  out = pl.pallas_call(
      _tc_body,
      grid=(pl.cdiv(N_NODES, BT),),
      in_specs=[
          pl.BlockSpec((NC, BT, D_FEAT), lambda i: (0, i, 0)),
          pl.BlockSpec((NW, BT), lambda i: (0, i)),
          pl.BlockSpec((D_FEAT, HIDDEN), lambda i: (0, 0)),
          pl.BlockSpec((1, HIDDEN), lambda i: (0, 0)),
          pl.BlockSpec((HIDDEN, N_CLASSES), lambda i: (0, 0)),
          pl.BlockSpec((1, N_CLASSES), lambda i: (0, 0)),
      ],
      out_specs=pl.BlockSpec((BT, N_CLASSES), lambda i: (i, 0)),
      out_shape=jax.ShapeDtypeStruct((N_NODES, N_CLASSES), jnp.float32),
  )(agg_parts, cnt_parts, W1, b1.reshape(1, HIDDEN),
    W2, b2.reshape(1, N_CLASSES))
  return out

# --- scband reference (transcript-rebuilt; emitter-appended) ---
"""Pipeline reference for scband-fair-gnn-10282151707073 (READ-ONLY COPY).

The authoritative reference and input builder live on the scoring server;
editing this copy changes nothing except your own understanding.
"""

import jax, jax.numpy as jnp
import numpy as np

N_NODES = 10000
N_EDGES = 320000
D_FEAT = 128
HIDDEN = 128
N_CLASSES = 2


def setup_inputs(seed: int = 0) -> dict:
    key = jax.random.key(seed)
    k1, k2, k3, k4, k5, k6 = jax.random.split(key, 6)
    x = jax.random.normal(k1, (N_NODES, D_FEAT), dtype=jnp.float32)
    edge_index = jax.random.randint(k2, (2, N_EDGES), 0, N_NODES, dtype=jnp.int64)
    # FAME conv parameters (message-passing linear transform)
    W1 = jax.random.normal(k3, (D_FEAT, HIDDEN), dtype=jnp.float32) * (1.0 / np.sqrt(D_FEAT))
    b1 = jnp.zeros((HIDDEN,), dtype=jnp.float32)
    # final classifier fc: Linear(hidden, 2)
    W2 = jax.random.normal(k4, (HIDDEN, N_CLASSES), dtype=jnp.float32) * (1.0 / np.sqrt(HIDDEN))
    b2 = jnp.zeros((N_CLASSES,), dtype=jnp.float32)
    return {"x": x, "edge_index": edge_index, "W1": W1, "b1": b1, "W2": W2, "b2": b2}


def reference(x, edge_index, W1, b1, W2, b2):
    src = edge_index[0]
    dst = edge_index[1]
    # message passing: gather source node features, mean-aggregate at destination
    msgs = jnp.take(x, src, axis=0)                                  # [E, d_feat] gather
    agg = jax.ops.segment_sum(msgs, dst, num_segments=N_NODES)       # [N, d_feat] scatter-add
    deg = jax.ops.segment_sum(jnp.ones((src.shape[0],), jnp.float32), dst, num_segments=N_NODES)
    agg = agg / jnp.maximum(deg, 1.0)[:, None]
    h = agg @ W1 + b1                                                # conv1 linear transform
    h = jax.nn.relu(h)
    logits = h @ W2 + b2                                             # fc
    # log_softmax over dim=1
    out = logits - jax.scipy.special.logsumexp(logits, axis=1, keepdims=True)
    return out

if __name__ == "__main__":
    import jax
    _d = setup_inputs()
    print(jax.jit(kernel)(*tuple(_d.values())))

</pallas_src>

<mosaic_0001>
#map = affine_map<(d0, d1) -> (0, 0)>
#map1 = affine_map<(d0, d1) -> (0, 0, 0)>
module attributes {stable_mosaic.version = 14 : i64} {
  func.func @_sc_body(%arg0: i32, %arg1: i32, %arg2: memref<2x323584xi32, #tpu.memory_space<hbm>>, %arg3: memref<10000x128xf32, #tpu.memory_space<hbm>>, %arg4: memref<10240x128xf32, #tpu.memory_space<hbm>>, %arg5: memref<2x10240x128xf32, #tpu.memory_space<hbm>>, %arg6: memref<32x10240xf32, #tpu.memory_space<hbm>>, %arg7: memref<2x128xi32, #tpu.memory_space<vmem>>, %arg8: memref<128x128xf32, #tpu.memory_space<vmem>>, %arg9: memref<10240xf32, #tpu.memory_space<vmem>>, %arg10: memref<10240x128xf32, #tpu.memory_space<vmem_shared>>) attributes {dimension_semantics = [#tpu.dimension_semantics<core_parallel>, #tpu.dimension_semantics<subcore_parallel>], iteration_bounds = array<i64: 2, 16>, scalar_prefetch = 0 : i64, scratch_operands = 4 : i64, tpu.core_type = #tpu.core_type<sc_vector_subcore>, window_params = [{transform_indices = #map}, {transform_indices = #map}, {transform_indices = #map}, {transform_indices = #map1}, {transform_indices = #map}]} {
    %mul3A = arith.constant 16 : i32
    %mul3A_0 = arith.muli %arg0, %mul3A : i32
    %add3A = arith.addi %mul3A_0, %arg1 : i32
    %mul3A_1 = arith.constant 640 : i32
    %mul3A_2 = arith.muli %arg1, %mul3A_1 : i32
    "tpu.region"() ({
      %run_scoped3A = tpu.sem_alloc : memref<!tpu.dma_semaphore, #tpu.memory_space<semaphore_mem>>
      %dma_start3A = arith.constant 0 : i32
      %dma_start3A_16 = tpu.memref_slice %arg10[%mul3A_2, %dma_start3A] : memref<10240x128xf32, #tpu.memory_space<vmem_shared>> -> memref<640x128xf32, #tpu.memory_space<vmem_shared>>
      %dma_start3A_17 = arith.constant 0 : i32
      %dma_start3A_18 = tpu.memref_slice %arg4[%mul3A_2, %dma_start3A_17] : memref<10240x128xf32, #tpu.memory_space<hbm>> -> memref<640x128xf32, #tpu.memory_space<hbm>>
      tpu.enqueue_dma source(%dma_start3A_18 : memref<640x128xf32, #tpu.memory_space<hbm>>) target(%dma_start3A_16 : memref<640x128xf32, #tpu.memory_space<vmem_shared>>) target_semaphore(%run_scoped3A : memref<!tpu.dma_semaphore, #tpu.memory_space<semaphore_mem>>)
      %dma_wait3A = arith.constant 0 : i32
      %dma_wait3A_19 = tpu.memref_slice %arg10[%mul3A_2, %dma_wait3A] : memref<10240x128xf32, #tpu.memory_space<vmem_shared>> -> memref<640x128xf32, #tpu.memory_space<vmem_shared>>
      %dma_wait3A_20 = arith.constant 0 : i32
      %dma_wait3A_21 = tpu.memref_slice %arg4[%mul3A_2, %dma_wait3A_20] : memref<10240x128xf32, #tpu.memory_space<hbm>> -> memref<640x128xf32, #tpu.memory_space<hbm>>
      tpu.wait_dma2 semaphore(%run_scoped3A : memref<!tpu.dma_semaphore, #tpu.memory_space<semaphore_mem>>) src(%dma_wait3A_21 : memref<640x128xf32, #tpu.memory_space<hbm>>) dst(%dma_wait3A_19 : memref<640x128xf32, #tpu.memory_space<vmem_shared>>)
      tpu.yield
    }) : () -> ()
    %broadcast_in_dim3A = arith.constant 0.000000e+00 : f32
    %broadcast_in_dim3A_3 = vector.broadcast %broadcast_in_dim3A : f32 to vector<16xf32>
    %scan3A = arith.constant 0 : i32
    %scan3A_4 = arith.constant 640 : i32
    %scan3A_5 = arith.addi %scan3A, %scan3A_4 : i32
    %scan3A_6 = arith.constant 1 : i32
    scf.for %scan3A_16 = %scan3A to %scan3A_5 step %scan3A_6  : i32 {
      %mul3A_17 = arith.constant 1 : i32
      %mul3A_18 = arith.muli %scan3A_16, %mul3A_17 : i32
      %add3A_19 = arith.constant 0 : i32
      %add3A_20 = arith.addi %add3A_19, %mul3A_18 : i32
      %mul3A_21 = arith.constant 16 : i32
      %mul3A_22 = arith.muli %add3A_20, %mul3A_21 : i32
      %swap3A = arith.index_cast %mul3A_22 : i32 to index
      %swap3A_23 = tpu.vector_load %arg9[%swap3A] {strides = array<i32>} : memref<10240xf32, #tpu.memory_space<vmem>>, vector<16xf32>,
      tpu.vector_store %arg9[%swap3A], %broadcast_in_dim3A_3 {strides = array<i32>} : memref<10240xf32, #tpu.memory_space<vmem>>, vector<16xf32>,
    }
    %scan3A_7 = arith.constant 640 : i32
    %barrier3A = arith.constant 0 : index
    tpu.barrier barrier_id(%barrier3A)
    %broadcast_in_dim3A_8 = arith.constant 1.000000e+00 : f32
    %broadcast_in_dim3A_9 = vector.broadcast %broadcast_in_dim3A_8 : f32 to vector<16xf32>
    %scan3A_10 = arith.constant 0 : i32
    %scan3A_11 = arith.constant 79 : i32
    %scan3A_12 = arith.addi %scan3A_10, %scan3A_11 : i32
    %scan3A_13 = arith.constant 1 : i32
    scf.for %scan3A_16 = %scan3A_10 to %scan3A_12 step %scan3A_13  : i32 {
      %mul3A_17 = arith.constant 1 : i32
      %mul3A_18 = arith.muli %scan3A_16, %mul3A_17 : i32
      %add3A_19 = arith.constant 0 : i32
      %add3A_20 = arith.addi %add3A_19, %mul3A_18 : i32
      %mul3A_21 = arith.constant 32 : i32
      %mul3A_22 = arith.muli %add3A_20, %mul3A_21 : i32
      %add3A_23 = arith.addi %mul3A_22, %add3A : i32
      %mul3A_24 = arith.constant 128 : i32
      %mul3A_25 = arith.muli %add3A_23, %mul3A_24 : i32
      "tpu.region"() ({
        %run_scoped3A_58 = tpu.sem_alloc : memref<!tpu.dma_semaphore, #tpu.memory_space<semaphore_mem>>
        %dma_start3A = arith.constant 0 : i32
        %dma_start3A_59 = tpu.memref_slice %arg2[%dma_start3A, %mul3A_25] : memref<2x323584xi32, #tpu.memory_space<hbm>> -> memref<2x128xi32, #tpu.memory_space<hbm>>
        %dma_start3A_60 = arith.constant 0 : i32
        %dma_start3A_61 = tpu.memref_slice %arg2[%dma_start3A_60, %mul3A_25] : memref<2x323584xi32, #tpu.memory_space<hbm>> -> memref<2x128xi32, #tpu.memory_space<hbm>>
        tpu.enqueue_dma source(%dma_start3A_61 : memref<2x128xi32, #tpu.memory_space<hbm>>) target(%arg7 : memref<2x128xi32, #tpu.memory_space<vmem>>) target_semaphore(%run_scoped3A_58 : memref<!tpu.dma_semaphore, #tpu.memory_space<semaphore_mem>>)
        %dma_wait3A = arith.constant 0 : i32
        %dma_wait3A_62 = tpu.memref_slice %arg2[%dma_wait3A, %mul3A_25] : memref<2x323584xi32, #tpu.memory_space<hbm>> -> memref<2x128xi32, #tpu.memory_space<hbm>>
        %dma_wait3A_63 = arith.constant 0 : i32
        %dma_wait3A_64 = tpu.memref_slice %arg2[%dma_wait3A_63, %mul3A_25] : memref<2x323584xi32, #tpu.memory_space<hbm>> -> memref<2x128xi32, #tpu.memory_space<hbm>>
        tpu.wait_dma2 semaphore(%run_scoped3A_58 : memref<!tpu.dma_semaphore, #tpu.memory_space<semaphore_mem>>) src(%dma_wait3A_64 : memref<2x128xi32, #tpu.memory_space<hbm>>) dst(%arg7 : memref<2x128xi32, #tpu.memory_space<vmem>>)
        tpu.yield
      }) : () -> ()
      %run_scoped3A = arith.constant 0 : i32
      "tpu.region"() ({
        %run_scoped3A_58 = tpu.sem_alloc : memref<!tpu.dma_semaphore, #tpu.memory_space<semaphore_mem>>
        %dma_start3A = arith.constant 0 : i32
        %dma_start3A_59 = tpu.memref_slice %arg7[%run_scoped3A, %dma_start3A] : memref<2x128xi32, #tpu.memory_space<vmem>> -> memref<1x128xi32, #tpu.memory_space<vmem>>
        %dma_start3A_60 = tpu.memref_squeeze %dma_start3A_59 : memref<1x128xi32, #tpu.memory_space<vmem>> -> memref<128xi32, #tpu.memory_space<vmem>>
        %dma_start3A_61 = arith.constant 0 : i32
        %dma_start3A_62 = arith.constant 0 : i32
        %dma_start3A_63 = tpu.memref_slice %arg3[%dma_start3A_61, %dma_start3A_62] : memref<10000x128xf32, #tpu.memory_space<hbm>> -> memref<10000x128xf32, #tpu.memory_space<hbm>>
        tpu.enqueue_indirect_dma source(%dma_start3A_63 : memref<10000x128xf32, #tpu.memory_space<hbm>>) target(%arg8 : memref<128x128xf32, #tpu.memory_space<vmem>>) offsets(%dma_start3A_60 : memref<128xi32, #tpu.memory_space<vmem>>) semaphore(%run_scoped3A_58 : memref<!tpu.dma_semaphore, #tpu.memory_space<semaphore_mem>>)
        %dma_wait3A = arith.constant 0 : i32
        %dma_wait3A_64 = tpu.memref_slice %arg7[%run_scoped3A, %dma_wait3A] : memref<2x128xi32, #tpu.memory_space<vmem>> -> memref<1x128xi32, #tpu.memory_space<vmem>>
        %dma_wait3A_65 = tpu.memref_squeeze %dma_wait3A_64 : memref<1x128xi32, #tpu.memory_space<vmem>> -> memref<128xi32, #tpu.memory_space<vmem>>
        %dma_wait3A_66 = arith.constant 0 : i32
        %dma_wait3A_67 = arith.constant 0 : i32
        %dma_wait3A_68 = tpu.memref_slice %arg3[%dma_wait3A_66, %dma_wait3A_67] : memref<10000x128xf32, #tpu.memory_space<hbm>> -> memref<10000x128xf32, #tpu.memory_space<hbm>>
        tpu.wait_indirect_dma semaphore(%run_scoped3A_58 : memref<!tpu.dma_semaphore, #tpu.memory_space<semaphore_mem>>) src(%dma_wait3A_68 : memref<10000x128xf32, #tpu.memory_space<hbm>>) dst(%arg8 : memref<128x128xf32, #tpu.memory_space<vmem>>)
        tpu.yield
      }) : () -> ()
      %run_scoped3A_26 = arith.constant 1 : i32
      "tpu.region"() ({
        %run_scoped3A_58 = tpu.sem_alloc : memref<!tpu.dma_semaphore, #tpu.memory_space<semaphore_mem>>
        %dma_start3A = arith.constant 0 : i32
        %dma_start3A_59 = tpu.memref_slice %arg7[%run_scoped3A_26, %dma_start3A] : memref<2x128xi32, #tpu.memory_space<vmem>> -> memref<1x128xi32, #tpu.memory_space<vmem>>
        %dma_start3A_60 = tpu.memref_squeeze %dma_start3A_59 : memref<1x128xi32, #tpu.memory_space<vmem>> -> memref<128xi32, #tpu.memory_space<vmem>>
        %dma_start3A_61 = arith.constant 0 : i32
        %dma_start3A_62 = arith.constant 0 : i32
        %dma_start3A_63 = tpu.memref_slice %arg10[%dma_start3A_61, %dma_start3A_62] : memref<10240x128xf32, #tpu.memory_space<vmem_shared>> -> memref<10240x128xf32, #tpu.memory_space<vmem_shared>>
        tpu.enqueue_indirect_dma source(%arg8 : memref<128x128xf32, #tpu.memory_space<vmem>>) target(%dma_start3A_63 : memref<10240x128xf32, #tpu.memory_space<vmem_shared>>) offsets(%dma_start3A_60 : memref<128xi32, #tpu.memory_space<vmem>>) semaphore(%run_scoped3A_58 : memref<!tpu.dma_semaphore, #tpu.memory_space<semaphore_mem>>) {add = true}
        %dma_wait3A = arith.constant 0 : i32
        %dma_wait3A_64 = tpu.memref_slice %arg7[%run_scoped3A_26, %dma_wait3A] : memref<2x128xi32, #tpu.memory_space<vmem>> -> memref<1x128xi32, #tpu.memory_space<vmem>>
        %dma_wait3A_65 = tpu.memref_squeeze %dma_wait3A_64 : memref<1x128xi32, #tpu.memory_space<vmem>> -> memref<128xi32, #tpu.memory_space<vmem>>
        %dma_wait3A_66 = arith.constant 0 : i32
        %dma_wait3A_67 = arith.constant 0 : i32
        %dma_wait3A_68 = tpu.memref_slice %arg10[%dma_wait3A_66, %dma_wait3A_67] : memref<10240x128xf32, #tpu.memory_space<vmem_shared>> -> memref<10240x128xf32, #tpu.memory_space<vmem_shared>>
        tpu.wait_indirect_dma semaphore(%run_scoped3A_58 : memref<!tpu.dma_semaphore, #tpu.memory_space<semaphore_mem>>) src(%arg8 : memref<128x128xf32, #tpu.memory_space<vmem>>) dst(%dma_wait3A_68 : memref<10240x128xf32, #tpu.memory_space<vmem_shared>>)
        tpu.yield
      }) : () -> ()
      %get3A = arith.constant 1 : i32
      %get3A_27 = arith.index_cast %get3A : i32 to index
      %get3A_28 = arith.constant 0 : index
      %get3A_29 = tpu.vector_load %arg7[%get3A_27, %get3A_28] {strides = array<i32>} : memref<2x128xi32, #tpu.memory_space<vmem>>, vector<16xi32>,
      tpu.vector_store_idx %arg9[%get3A_29], %broadcast_in_dim3A_9 {add = true} : memref<10240xf32, #tpu.memory_space<vmem>>[vector<16xi32>], vector<16xf32>,
      %get3A_30 = arith.constant 1 : i32
      %get3A_31 = arith.index_cast %get3A_30 : i32 to index
      %get3A_32 = arith.constant 16 : index
      %get3A_33 = tpu.vector_load %arg7[%get3A_31, %get3A_32] {strides = array<i32>} : memref<2x128xi32, #tpu.memory_space<vmem>>, vector<16xi32>,
      tpu.vector_store_idx %arg9[%get3A_33], %broadcast_in_dim3A_9 {add = true} : memref<10240xf32, #tpu.memory_space<vmem>>[vector<16xi32>], vector<16xf32>,
      %get3A_34 = arith.constant 1 : i32
      %get3A_35 = arith.index_cast %get3A_34 : i32 to index
      %get3A_36 = arith.constant 32 : index
      %get3A_37 = tpu.vector_load %arg7[%get3A_35, %get3A_36] {strides = array<i32>} : memref<2x128xi32, #tpu.memory_space<vmem>>, vector<16xi32>,
      tpu.vector_store_idx %arg9[%get3A_37], %broadcast_in_dim3A_9 {add = true} : memref<10240xf32, #tpu.memory_space<vmem>>[vector<16xi32>], vector<16xf32>,
      %get3A_38 = arith.constant 1 : i32
      %get3A_39 = arith.index_cast %get3A_38 : i32 to index
      %get3A_40 = arith.constant 48 : index
      %get3A_41 = tpu.vector_load %arg7[%get3A_39, %get3A_40] {strides = array<i32>} : memref<2x128xi32, #tpu.memory_space<vmem>>, vector<16xi32>,
      tpu.vector_store_idx %arg9[%get3A_41], %broadcast_in_dim3A_9 {add = true} : memref<10240xf32, #tpu.memory_space<vmem>>[vector<16xi32>], vector<16xf32>,
      %get3A_42 = arith.constant 1 : i32
      %get3A_43 = arith.index_cast %get3A_42 : i32 to index
      %get3A_44 = arith.constant 64 : index
      %get3A_45 = tpu.vector_load %arg7[%get3A_43, %get3A_44] {strides = array<i32>} : memref<2x128xi32, #tpu.memory_space<vmem>>, vector<16xi32>,
      tpu.vector_store_idx %arg9[%get3A_45], %broadcast_in_dim3A_9 {add = true} : memref<10240xf32, #tpu.memory_space<vmem>>[vector<16xi32>], vector<16xf32>,
      %get3A_46 = arith.constant 1 : i32
      %get3A_47 = arith.index_cast %get3A_46 : i32 to index
      %get3A_48 = arith.constant 80 : index
      %get3A_49 = tpu.vector_load %arg7[%get3A_47, %get3A_48] {strides = array<i32>} : memref<2x128xi32, #tpu.memory_space<vmem>>, vector<16xi32>,
      tpu.vector_store_idx %arg9[%get3A_49], %broadcast_in_dim3A_9 {add = true} : memref<10240xf32, #tpu.memory_space<vmem>>[vector<16xi32>], vector<16xf32>,
      %get3A_50 = arith.constant 1 : i32
      %get3A_51 = arith.index_cast %get3A_50 : i32 to index
      %get3A_52 = arith.constant 96 : index
      %get3A_53 = tpu.vector_load %arg7[%get3A_51, %get3A_52] {strides = array<i32>} : memref<2x128xi32, #tpu.memory_space<vmem>>, vector<16xi32>,
      tpu.vector_store_idx %arg9[%get3A_53], %broadcast_in_dim3A_9 {add = true} : memref<10240xf32, #tpu.memory_space<vmem>>[vector<16xi32>], vector<16xf32>,
      %get3A_54 = arith.constant 1 : i32
      %get3A_55 = arith.index_cast %get3A_54 : i32 to index
      %get3A_56 = arith.constant 112 : index
      %get3A_57 = tpu.vector_load %arg7[%get3A_55, %get3A_56] {strides = array<i32>} : memref<2x128xi32, #tpu.memory_space<vmem>>, vector<16xi32>,
      tpu.vector_store_idx %arg9[%get3A_57], %broadcast_in_dim3A_9 {add = true} : memref<10240xf32, #tpu.memory_space<vmem>>[vector<16xi32>], vector<16xf32>,
    }
    %scan3A_14 = arith.constant 79 : i32
    %barrier3A_15 = arith.constant 0 : index
    tpu.barrier barrier_id(%barrier3A_15)
    "tpu.region"() ({
      %run_scoped3A = tpu.sem_alloc : memref<!tpu.dma_semaphore, #tpu.memory_space<semaphore_mem>>
      %dma_start3A = arith.constant 0 : i32
      %dma_start3A_16 = tpu.memref_slice %arg5[%arg0, %mul3A_2, %dma_start3A] : memref<2x10240x128xf32, #tpu.memory_space<hbm>> -> memref<1x640x128xf32, #tpu.memory_space<hbm>>
      %dma_start3A_17 = tpu.memref_squeeze %dma_start3A_16 : memref<1x640x128xf32, #tpu.memory_space<hbm>> -> memref<640x128xf32, #tpu.memory_space<hbm>>
      %dma_start3A_18 = arith.constant 0 : i32
      %dma_start3A_19 = tpu.memref_slice %arg10[%mul3A_2, %dma_start3A_18] : memref<10240x128xf32, #tpu.memory_space<vmem_shared>> -> memref<640x128xf32, #tpu.memory_space<vmem_shared>>
      tpu.enqueue_dma source(%dma_start3A_19 : memref<640x128xf32, #tpu.memory_space<vmem_shared>>) target(%dma_start3A_17 : memref<640x128xf32, #tpu.memory_space<hbm>>) target_semaphore(%run_scoped3A : memref<!tpu.dma_semaphore, #tpu.memory_space<semaphore_mem>>)
      %dma_wait3A = arith.constant 0 : i32
      %dma_wait3A_20 = tpu.memref_slice %arg5[%arg0, %mul3A_2, %dma_wait3A] : memref<2x10240x128xf32, #tpu.memory_space<hbm>> -> memref<1x640x128xf32, #tpu.memory_space<hbm>>
      %dma_wait3A_21 = tpu.memref_squeeze %dma_wait3A_20 : memref<1x640x128xf32, #tpu.memory_space<hbm>> -> memref<640x128xf32, #tpu.memory_space<hbm>>
      %dma_wait3A_22 = arith.constant 0 : i32
      %dma_wait3A_23 = tpu.memref_slice %arg10[%mul3A_2, %dma_wait3A_22] : memref<10240x128xf32, #tpu.memory_space<vmem_shared>> -> memref<640x128xf32, #tpu.memory_space<vmem_shared>>
      tpu.wait_dma2 semaphore(%run_scoped3A : memref<!tpu.dma_semaphore, #tpu.memory_space<semaphore_mem>>) src(%dma_wait3A_23 : memref<640x128xf32, #tpu.memory_space<vmem_shared>>) dst(%dma_wait3A_21 : memref<640x128xf32, #tpu.memory_space<hbm>>)
      tpu.yield
    }) : () -> ()
    "tpu.region"() ({
      %run_scoped3A = tpu.sem_alloc : memref<!tpu.dma_semaphore, #tpu.memory_space<semaphore_mem>>
      %dma_start3A = arith.constant 0 : i32
      %dma_start3A_16 = tpu.memref_slice %arg6[%add3A, %dma_start3A] : memref<32x10240xf32, #tpu.memory_space<hbm>> -> memref<1x10240xf32, #tpu.memory_space<hbm>>
      %dma_start3A_17 = tpu.memref_squeeze %dma_start3A_16 : memref<1x10240xf32, #tpu.memory_space<hbm>> -> memref<10240xf32, #tpu.memory_space<hbm>>
      %dma_start3A_18 = arith.constant 0 : i32
      %dma_start3A_19 = tpu.memref_slice %arg6[%add3A, %dma_start3A_18] : memref<32x10240xf32, #tpu.memory_space<hbm>> -> memref<1x10240xf32, #tpu.memory_space<hbm>>
      %dma_start3A_20 = tpu.memref_squeeze %dma_start3A_19 : memref<1x10240xf32, #tpu.memory_space<hbm>> -> memref<10240xf32, #tpu.memory_space<hbm>>
      tpu.enqueue_dma source(%arg9 : memref<10240xf32, #tpu.memory_space<vmem>>) target(%dma_start3A_20 : memref<10240xf32, #tpu.memory_space<hbm>>) target_semaphore(%run_scoped3A : memref<!tpu.dma_semaphore, #tpu.memory_space<semaphore_mem>>)
      %dma_wait3A = arith.constant 0 : i32
      %dma_wait3A_21 = tpu.memref_slice %arg6[%add3A, %dma_wait3A] : memref<32x10240xf32, #tpu.memory_space<hbm>> -> memref<1x10240xf32, #tpu.memory_space<hbm>>
      %dma_wait3A_22 = tpu.memref_squeeze %dma_wait3A_21 : memref<1x10240xf32, #tpu.memory_space<hbm>> -> memref<10240xf32, #tpu.memory_space<hbm>>
      %dma_wait3A_23 = arith.constant 0 : i32
      %dma_wait3A_24 = tpu.memref_slice %arg6[%add3A, %dma_wait3A_23] : memref<32x10240xf32, #tpu.memory_space<hbm>> -> memref<1x10240xf32, #tpu.memory_space<hbm>>
      %dma_wait3A_25 = tpu.memref_squeeze %dma_wait3A_24 : memref<1x10240xf32, #tpu.memory_space<hbm>> -> memref<10240xf32, #tpu.memory_space<hbm>>
      tpu.wait_dma2 semaphore(%run_scoped3A : memref<!tpu.dma_semaphore, #tpu.memory_space<semaphore_mem>>) src(%arg9 : memref<10240xf32, #tpu.memory_space<vmem>>) dst(%dma_wait3A_25 : memref<10240xf32, #tpu.memory_space<hbm>>)
      tpu.yield
    }) : () -> ()
    return
  }
}

module attributes {stable_mosaic.version = 14 : i64} {
  func.func @_tc_body(%arg0: i32, %arg1: memref<2x1024x128xf32, #tpu.memory_space<vmem>>, %arg2: memref<32x1024xf32, #tpu.memory_space<vmem>>, %arg3: memref<128x128xf32, #tpu.memory_space<vmem>>, %arg4: memref<1x128xf32, #tpu.memory_space<vmem>>, %arg5: memref<128x2xf32, #tpu.memory_space<vmem>>, %arg6: memref<1x2xf32, #tpu.memory_space<vmem>>, %arg7: memref<1024x2xf32, #tpu.memory_space<vmem>>) attributes {dimension_semantics = [#tpu.dimension_semantics<arbitrary>], iteration_bounds = array<i64: 10>, scalar_prefetch = 0 : i64, scratch_operands = 0 : i64, tpu.core_type = #tpu.core_type<tc>, window_params = [{transform_indices = @transform_0, window_bounds = array<i64: 2, 1024, 128>}, {transform_indices = @transform_1, window_bounds = array<i64: 32, 1024>}, {pipeline_mode = #tpu.pipeline_mode<synchronous>, transform_indices = @transform_2, window_bounds = array<i64: 128, 128>}, {pipeline_mode = #tpu.pipeline_mode<synchronous>, transform_indices = @transform_3, window_bounds = array<i64: 1, 128>}, {pipeline_mode = #tpu.pipeline_mode<synchronous>, transform_indices = @transform_4, window_bounds = array<i64: 128, 2>}, {pipeline_mode = #tpu.pipeline_mode<synchronous>, transform_indices = @transform_5, window_bounds = array<i64: 1, 2>}, {transform_indices = @transform_6, window_bounds = array<i64: 1024, 2>}]} {
    %get3A = arith.constant 0 : index
    %get3A_0 = arith.constant 0 : index
    %get3A_1 = arith.constant 0 : index
    %get3A_2 = vector.load %arg1[%get3A, %get3A_0, %get3A_1] : memref<2x1024x128xf32, #tpu.memory_space<vmem>>, vector<1x1024x128xf32>
    %get3A_3 = vector.shape_cast %get3A_2 : vector<1x1024x128xf32> to vector<1024x128xf32>
    %get3A_4 = arith.constant 1 : index
    %get3A_5 = arith.constant 0 : index
    %get3A_6 = arith.constant 0 : index
    %get3A_7 = vector.load %arg1[%get3A_4, %get3A_5, %get3A_6] : memref<2x1024x128xf32, #tpu.memory_space<vmem>>, vector<1x1024x128xf32>
    %get3A_8 = vector.shape_cast %get3A_7 : vector<1x1024x128xf32> to vector<1024x128xf32>
    %add3A = arith.addf %get3A_3, %get3A_8 : vector<1024x128xf32>
    %get3A_9 = arith.constant 0 : index
    %get3A_10 = arith.constant 0 : index
    %get3A_11 = vector.load %arg2[%get3A_9, %get3A_10] : memref<32x1024xf32, #tpu.memory_space<vmem>>, vector<32x1024xf32>
    %transpose3A = tpu.transpose %get3A_11, [1, 0] : vector<32x1024xf32> -> vector<1024x32xf32>
    %reduce_sum3A = arith.constant dense<0.000000e+00> : vector<1024xf32>
    %reduce_sum3A_12 = vector.multi_reduction <add>, %transpose3A, %reduce_sum3A [1] : vector<1024x32xf32> to vector<1024xf32>
    %broadcast_in_dim3A = vector.shape_cast %reduce_sum3A_12 : vector<1024xf32> to vector<1024x1xf32>
    %max3A = arith.constant 1.000000e+00 : f32
    %max3A_13 = vector.broadcast %max3A : f32 to vector<1024x1xf32>
    %max3A_14 = arith.maximumf %broadcast_in_dim3A, %max3A_13 : vector<1024x1xf32>
    %div3A = vector.broadcast %max3A_14 : vector<1024x1xf32> to vector<1024x128xf32>
    %div3A_15 = arith.divf %add3A, %div3A : vector<1024x128xf32>
    %get3A_16 = arith.constant 0 : index
    %get3A_17 = arith.constant 0 : index
    %get3A_18 = vector.load %arg3[%get3A_16, %get3A_17] : memref<128x128xf32, #tpu.memory_space<vmem>>, vector<128x128xf32>
    %dot_general3A = arith.constant dense<0.000000e+00> : vector<1024x128xf32>
    %dot_general3A_19 = tpu.matmul %div3A_15, %get3A_18, %dot_general3A {dimension_numbers = #tpu.dot_dimension_numbers<[1], [0], [0], [1], [0, 0, 1, 1], [], []>, transpose_lhs_hint = false} : vector<1024x128xf32>, vector<128x128xf32>, vector<1024x128xf32> -> vector<1024x128xf32>
    %get3A_20 = arith.constant 0 : index
    %get3A_21 = arith.constant 0 : index
    %get3A_22 = vector.load %arg4[%get3A_20, %get3A_21] : memref<1x128xf32, #tpu.memory_space<vmem>>, vector<1x128xf32>
    %add3A_23 = vector.broadcast %get3A_22 : vector<1x128xf32> to vector<1024x128xf32>
    %add3A_24 = arith.addf %dot_general3A_19, %add3A_23 : vector<1024x128xf32>
    %max3A_25 = arith.constant 0.000000e+00 : f32
    %max3A_26 = vector.broadcast %max3A_25 : f32 to vector<1024x128xf32>
    %max3A_27 = arith.maximumf %add3A_24, %max3A_26 : vector<1024x128xf32>
    %get3A_28 = arith.constant 0 : index
    %get3A_29 = arith.constant 0 : index
    %get3A_30 = vector.load %arg5[%get3A_28, %get3A_29] : memref<128x2xf32, #tpu.memory_space<vmem>>, vector<128x2xf32>
    %dot_general3A_31 = arith.constant dense<0.000000e+00> : vector<1024x2xf32>
    %dot_general3A_32 = tpu.matmul %max3A_27, %get3A_30, %dot_general3A_31 {dimension_numbers = #tpu.dot_dimension_numbers<[1], [0], [0], [1], [0, 0, 1, 1], [], []>, transpose_lhs_hint = false} : vector<1024x128xf32>, vector<128x2xf32>, vector<1024x2xf32> -> vector<1024x2xf32>
    %get3A_33 = arith.constant 0 : index
    %get3A_34 = arith.constant 0 : index
    %get3A_35 = vector.load %arg6[%get3A_33, %get3A_34] : memref<1x2xf32, #tpu.memory_space<vmem>>, vector<1x2xf32>
    %add3A_36 = vector.broadcast %get3A_35 : vector<1x2xf32> to vector<1024x2xf32>
    %add3A_37 = arith.addf %dot_general3A_32, %add3A_36 : vector<1024x2xf32>
    %reduce_max3A = arith.constant dense<0xFF800000> : vector<1024xf32>
    %reduce_max3A_38 = vector.multi_reduction <maximumf>, %add3A_37, %reduce_max3A [1] : vector<1024x2xf32> to vector<1024xf32>
    %broadcast_in_dim3A_39 = vector.shape_cast %reduce_max3A_38 : vector<1024xf32> to vector<1024x1xf32>
    %sub3A = vector.broadcast %broadcast_in_dim3A_39 : vector<1024x1xf32> to vector<1024x2xf32>
    %sub3A_40 = arith.subf %add3A_37, %sub3A : vector<1024x2xf32>
    %exp3A = math.exp %sub3A_40 : vector<1024x2xf32>
    %reduce_sum3A_41 = arith.constant dense<0.000000e+00> : vector<1024xf32>
    %reduce_sum3A_42 = vector.multi_reduction <add>, %exp3A, %reduce_sum3A_41 [1] : vector<1024x2xf32> to vector<1024xf32>
    %broadcast_in_dim3A_43 = vector.shape_cast %reduce_sum3A_42 : vector<1024xf32> to vector<1024x1xf32>
    %log3A = math.log %broadcast_in_dim3A_43 : vector<1024x1xf32>
    %add3A_44 = arith.addf %broadcast_in_dim3A_39, %log3A : vector<1024x1xf32>
    %sub3A_45 = vector.broadcast %add3A_44 : vector<1024x1xf32> to vector<1024x2xf32>
    %sub3A_46 = arith.subf %add3A_37, %sub3A_45 : vector<1024x2xf32>
    %swap3A = arith.constant 0 : index
    %swap3A_47 = arith.constant 0 : index
    %swap3A_48 = vector.load %arg7[%swap3A, %swap3A_47] : memref<1024x2xf32, #tpu.memory_space<vmem>>, vector<1024x2xf32>
    tpu.vector_store %arg7[%swap3A, %swap3A_47], %sub3A_46 {strides = array<i32>} : memref<1024x2xf32, #tpu.memory_space<vmem>>, vector<1024x2xf32>,
    return
  }
  func.func @transform_0(%arg0: i32) -> (i32, i32, i32) {
    %c0_i32 = arith.constant 0 : i32
    %c0_i32_0 = arith.constant 0 : i32
    %c0_i32_1 = arith.constant 0 : i32
    return %c0_i32, %arg0, %c0_i32_0 : i32, i32, i32
  }
  func.func @transform_1(%arg0: i32) -> (i32, i32) {
    %c0_i32 = arith.constant 0 : i32
    %c0_i32_0 = arith.constant 0 : i32
    return %c0_i32, %arg0 : i32, i32
  }
  func.func @transform_2(%arg0: i32) -> (i32, i32) {
    %c0_i32 = arith.constant 0 : i32
    %c0_i32_0 = arith.constant 0 : i32
    %c0_i32_1 = arith.constant 0 : i32
    return %c0_i32, %c0_i32_0 : i32, i32
  }
  func.func @transform_3(%arg0: i32) -> (i32, i32) {
    %c0_i32 = arith.constant 0 : i32
    %c0_i32_0 = arith.constant 0 : i32
    %c0_i32_1 = arith.constant 0 : i32
    return %c0_i32, %c0_i32_0 : i32, i32
  }
  func.func @transform_4(%arg0: i32) -> (i32, i32) {
    %c0_i32 = arith.constant 0 : i32
    %c0_i32_0 = arith.constant 0 : i32
    %c0_i32_1 = arith.constant 0 : i32
    return %c0_i32, %c0_i32_0 : i32, i32
  }
  func.func @transform_5(%arg0: i32) -> (i32, i32) {
    %c0_i32 = arith.constant 0 : i32
    %c0_i32_0 = arith.constant 0 : i32
    %c0_i32_1 = arith.constant 0 : i32
    return %c0_i32, %c0_i32_0 : i32, i32
  }
  func.func @transform_6(%arg0: i32) -> (i32, i32) {
    %c0_i32 = arith.constant 0 : i32
    %c0_i32_0 = arith.constant 0 : i32
    return %arg0, %c0_i32 : i32, i32
  }
}

</mosaic_0001>

<sc_bundles>
// kernel: kernel.4.cloned.1.call-start
scs
__scs_entry_jumppad:
0x0: {  	(pc) =	sbr.rel $0x88, $3  }
0x1: {  	(tag) =	ssettag $0x0;
	lr =	simm.s32 $0x1  }
0x2: {  	[smem:$0x3F9B] =	sst lr;
	_ =	strace $0xD0000000  }
0x3: {  	_ = 	snop  }
0x4: {  	_ = 	snop  }
0x5: {  	_ = 	snop  }
0x6: {  	_ = 	snop  }
0x7: {  	_ = 	snop  }
__scs_overlays_trampoline_lowered:
0x8: {  	[smem:$0x3FAA] =	sst s0  }
0x9: {  	[smem:$0x3FAB] =	sst s1  }
0xa: {  	[smem:$0x3FAC] =	sst s2  }
0xb: {  	[smem:$0x3FAD] =	sst s3  }
0xc: {  	[smem:$0x3FAE] =	sst s4  }
0xd: {  	[smem:$0x3FAF] =	sst s5  }
0xe: {  	[smem:$0x3FB0] =	sst s6  }
0xf: {  	[smem:$0x3FB1] =	sst s7  }
0x10: {  	[smem:$0x3FB2] =	sst s8  }
0x11: {  	[smem:$0x3FB3] =	sst s9;
	s0 =	simm.s32 @!p0 $0x0  }
0x12: {  	s1 =	sld [smem:$0x3F99];
	s0 =	simm.s32 @p0 $0x1  }
0x13: {  	[smem:$0x3FB4] =	sst s0;
	s0 =	simm.s32 @!p1 $0x0  }
0x14: {  	s2 =	sld [smem:$0x3F98];
	s0 =	simm.s32 @p1 $0x1  }
0x15: {  	[smem:$0x3FB5] =	sst s0;
	s0 =	simm.s32 @!p2 $0x0  }
0x16: {  	s3 =	sld [smem:$0x3FDB];
	s0 =	simm.s32 @p2 $0x1  }
0x17: {  	s4 =	simm.s32 $0x1BF5;
	[smem:$0x3FB7] =	sst s0  }
0x18: {  	s0 =	sld [smem:$0x3F9A];
	_ =	swait.ge [sflag:s4], $0x0  }
0x19: {  	s7 =	sld [smem:$0x3F9B]  }
0x1a: {  	s8 =	sadd.s32 $0xFFFFE003, lr  }
0x1b: {  	s9 =	sadd.s32 $0xFFFFFEF7, lr;
	s5 =	simm.s32 $0xFFFFFFFF;
	p2 =	slt.u32 s8, $0xFFFFF086  }
0x1c: {  	p1 =	slt.u32 s9, $0xF7A;
	s5 =	simm.s32 @!p2 $0x0  }
0x1d: {  	s5 =	simm.s32 @p1 $0x1;
	p0 =	seq.s32 s7, s2  }
0x1e: {  	s7 =	smul.u32 @!p0 $0xF7A, s2;
	p2 =	seq.s32 @!p0 s5, $0x0  }
0x1f: {  	s9 =	smul.u32 $0xF7A, s1;
	s8 =	simm.s32 @!p0 $0x1BF5;
	p2 =	por !p2, p0  }
0x20: {  	[sflag:s8] =	ssyncset.s32 @!p0 $0xFFFFF086;
	s6 =	sadd.s32 @!p0 s3, s7;
	s7 =	simm.s32 @!p0 $0x108  }
0x21: {  	s3 =	sadd.s32 s3, s9;
	s6 =	sadd.s32 @!p0 $0x88, s6;
	s7 =	simm.s32 @p2 $0x1082  }
0x22: {  	[simem:s7], [sflag:s8] =	dma.local @!p0 [hbm:s6], $0xF7A  }
0x23: {  	s9 =	sor.u32 $0xD0000000, s2;
	s6 =	simm.s32 $0x108;
	_ =	swait.ge @!p0 [sflag:s8], $0x0  }
0x24: {  	s3 =	sadd.s32 $0x88, s3;
	s6 =	simm.s32 @!p1 $0x1082;
	[sflag:s4] =	ssyncset.s32 $0xFFFFF086  }
0x25: {  	[simem:s6], [sflag:s4] =	dma.local [hbm:s3], $0xF7A  }
0x26: {  	[smem:$0x3F9B] =	sst s1;
	(tag) =	ssettag s2;
	_ =	strace s9  }
0x27: {  	s1 =	sld [smem:$0x3FAB]  }
0x28: {  	s2 =	sld [smem:$0x3FAC]  }
0x29: {  	s4 =	sld [smem:$0x3FAE]  }
0x2a: {  	p0 =	seq.s32 s5, $0x0;
	s5 =	sld [smem:$0x3FAF]  }
0x2b: {  	s6 =	sld [smem:$0x3FB0]  }
0x2c: {  	s7 =	sld [smem:$0x3FB1]  }
0x2d: {  	s3 =	simm.s32 $0x108;
	s8 =	sld [smem:$0x3FB2]  }
0x2e: {  	s3 =	simm.s32 @!p0 $0x1082;
	s9 =	sld [smem:$0x3FB3]  }
0x2f: {  	lr =	sadd.s32 s0, s3;
	s0 =	sld [smem:$0x3FAA]  }
0x30: {  	s3 =	sld [smem:$0x3FAD]  }
0x31: {  	[smem:$0x3FB6] =	sst s10  }
0x32: {  	s10 =	sld [smem:$0x3FB4];
	_ =	sdelay $0x3  }
0x33: {  	p0 =	seq.s32 s10, $0x1;
	s10 =	sld [smem:$0x3FB6];
	_ =	sdelay $0x3  }
0x34: {  	[smem:$0x3FB6] =	sst s10  }
0x35: {  	s10 =	sld [smem:$0x3FB5];
	_ =	sdelay $0x3  }
0x36: {  	p1 =	seq.s32 s10, $0x1;
	s10 =	sld [smem:$0x3FB6];
	_ =	sdelay $0x3  }
0x37: {  	[smem:$0x3FB6] =	sst s10  }
0x38: {  	s10 =	sld [smem:$0x3FB7]  }
0x39: {  	_ = 	snop;
	(pc) =	sbr.ind lr, $3  }
0x3a: {  	_ = 	snop  }
0x3b: {  	_ = 	snop  }
0x3c: {  	p2 =	seq.s32 s10, $0x1;
	s10 =	sld [smem:$0x3FB6]  }
0x3d: {  	_ =	shalt  }
0x3e: {  	_ =	shalt  }
0x3f: {  	_ =	shalt  }
0x40: {  	_ =	shalt  }
0x41: {  	_ =	shalt  }
0x42: {  	_ =	shalt  }
0x43: {  	_ =	shalt  }
0x44: {  	_ =	shalt  }
0x45: {  	_ =	shalt  }
0x46: {  	_ =	shalt  }
0x47: {  	_ =	shalt  }
0x48: {  	_ =	shalt  }
0x49: {  	_ =	shalt  }
0x4a: {  	_ =	shalt  }
0x4b: {  	_ =	shalt  }
0x4c: {  	_ =	shalt  }
0x4d: {  	_ =	shalt  }
0x4e: {  	_ =	shalt  }
0x4f: {  	_ =	shalt  }
0x50: {  	_ =	shalt  }
0x51: {  	_ =	shalt  }
0x52: {  	_ =	shalt  }
0x53: {  	_ =	shalt  }
0x54: {  	_ =	shalt  }
0x55: {  	_ =	shalt  }
0x56: {  	_ =	shalt  }
0x57: {  	_ =	shalt  }
0x58: {  	_ =	shalt  }
0x59: {  	_ =	shalt  }
0x5a: {  	_ =	shalt  }
0x5b: {  	_ =	shalt  }
0x5c: {  	_ =	shalt  }
0x5d: {  	_ =	shalt  }
0x5e: {  	_ =	shalt  }
0x5f: {  	_ =	shalt  }
0x60: {  	_ =	shalt  }
0x61: {  	_ =	shalt  }
0x62: {  	_ =	shalt  }
0x63: {  	_ =	shalt  }
0x64: {  	_ =	shalt  }
0x65: {  	_ =	shalt  }
0x66: {  	_ =	shalt  }
0x67: {  	_ =	shalt  }
0x68: {  	_ =	shalt  }
0x69: {  	_ =	shalt  }
0x6a: {  	_ =	shalt  }
0x6b: {  	_ =	shalt  }
0x6c: {  	_ =	shalt  }
0x6d: {  	_ =	shalt  }
0x6e: {  	_ =	shalt  }
0x6f: {  	_ =	shalt  }
0x70: {  	_ =	shalt  }
0x71: {  	_ =	shalt  }
0x72: {  	_ =	shalt  }
0x73: {  	_ =	shalt  }
0x74: {  	_ =	shalt  }
0x75: {  	_ =	shalt  }
0x76: {  	_ =	shalt  }
0x77: {  	_ =	shalt  }
0x78: {  	_ =	shalt  }
0x79: {  	_ =	shalt  }
0x7a: {  	_ =	shalt  }
0x7b: {  	_ =	shalt  }
0x7c: {  	_ =	shalt  }
0x7d: {  	_ =	shalt  }
0x7e: {  	_ =	shalt  }
0x7f: {  	_ =	shalt  }
0x80: {  	_ =	shalt  }
0x81: {  	_ =	shalt  }
0x82: {  	_ =	shalt  }
0x83: {  	_ =	shalt  }
0x84: {  	_ =	shalt  }
0x85: {  	_ =	shalt  }
0x86: {  	_ =	shalt  }
0x87: {  	_ =	shalt  }
.Lfunc_end0:
.L_simem_size_0:
called_computation_lowered:
.L_overlay_start_0:
0x88: {  	s2 =	sld [smem:$0x3FD9]  }
0x89: {  	s3 =	sld [smem:$0x3FFE];
	_ =	sdelay $0x1  }
0x8a: {  	s1 =	srdreg.scid  }
0x8b: {  	s0 =	sand.u32 $0x1, s1  }
0x8c: {  	s17 =	sshll.u32 s0, $0xA;
	s2 =	sadd.s32 s3, s2  }
0x8d: {  	s2 =	sadd.s32 s2, s17  }
0x8e: {  	[smem:$0x3FC2] =	sst s2  }
0x8f: {  	_ = 	snop  }
0x90: {  	s2 =	sld [smem:$0x3FC9];
	(tm) =	ssettm $0x1  }
0x91: {  	s18 =	sld [smem:$0x3FFB];
	_ =	sdelay $0x3  }
0x92: {  	_ =	strace s18  }
0x93: {  	s3 =	sld [smem:$0x3FFC];
	_ =	sdelay $0x3  }
0x94: {  	_ =	strace s3  }
0x95: {  	s3 =	sld [smem:$0x3FFD];
	_ =	sdelay $0x3  }
0x96: {  	_ =	strace s3  }
0x97: {  	_ =	strace $0x8FFFFFFF  }
0x98: {  	s19 =	sld [smem:$0x3FDB];
	_ =	sdelay $0x1  }
0x99: {  	s4 =	simm.s32 $_scs_section_size  }
0x9a: {  	s5 =	simm.s32 $_size__tile_overlayer_lowered;
	s6 =	simm.s32 $_tile_overlayer_lowered  }
0x9b: {  	s22 =	simm.s32 $0x1BFF;
	s21 =	sshll.u32 s6, $0x1;
	s3 =	sadd.s32 s4, s19  }
0x9c: {  	s7 =	simm.s32 $0x0;
	s20 =	sshll.u32 s5, $0x1;
	s5 =	sadd.s32 s21, s3  }
0x9d: {  	[timem:s7], [sflag:s22] =	dma.local [hbm:s5], s20  }
0x9e: {  	_ =	swait.ge [sflag:s22], s20  }
0x9f: {  	s4 =	ssub.s32 $0x0, s20;
	[sflag:s22] =	ssyncset.done $0x0  }
0xa0: {  	[sflag:s22] =	ssyncadd.s32 s4;
	_ =	sdelay $0x1  }
0xa1: {  	s23 =	simm.s32 $0x1B8B  }
0xa2: {  	_ =	swait.ge [sflag:s23], $0x1  }
0xa3: {  	[sflag:s23] =	ssyncset.done $0x0  }
0xa4: {  	s25 =	simm.s32 $0x1B8E;
	s24 =	sld [smem:$0x3FFE];
	[sflag:s23] =	ssyncadd.s32 $0xFFFFFFFF  }
0xa5: {  	s26 =	simm.s32 $execute0_lowered;
	[smem:$0x3FD2] =	sst s25  }
0xa6: {  	s5 =	sshll.u32 s26, $0x1;
	_ =	strace $0x80000046;
	[dreg:$0x1] =	wrdreg $0xFFFFFFFF  }
0xa7: {  	s28 =	simm.s32 $_size_execute0_lowered;
	s3 =	sadd.s32 s3, s5;
	[dreg:$0x0] =	wrdreg $0x0  }
0xa8: {  	s5 =	sshll.u32 s28, $0x1;
	[dreg:$0x2] =	wrdreg s3  }
0xa9: {  	[dreg:$0x3] =	wrdreg s5  }
0xaa: {  	[dreg:$0x4] =	wrdreg $0xC0  }
0xab: {  	_ =	task [dreg:s7], $0x5FFFF  }
0xac: {  	[dreg:$0x1] =	wrdreg $0xFFFFFFFF  }
0xad: {  	[dreg:$0x0] =	wrdreg $0x60  }
0xae: {  	[dreg:$0x2] =	wrdreg s24  }
0xaf: {  	[dreg:$0x3] =	wrdreg s2  }
0xb0: {  	[dreg:$0x4] =	wrdreg $0x69000  }
0xb1: {  	[dreg:$0x5] =	wrdreg $0x9  }
0xb2: {  	_ =	task.clear_ibuf [dreg:s7], $0x6FFFF;
	_ =	strace $0x90000046  }
0xb3: {  	s29 =	simm.s32 $0x9;
	_ =	strace $0x80000048  }
0xb4: {  	_ =	swait.ge [sflag:s29], $0x1  }
0xb5: {  	[sflag:s29] =	ssyncadd.s32 $0xFFFFFFFF  }
0xb6: {  	_ =	strace $0x90000048  }
0xb7: {  	_ =	sfence  }
0xb8: {  	s30 =	sld [smem:$0x0];
	_ =	sdelay $0x2  }
0xb9: {  	s31 =	sshll.u32 s1, $0xD;
	s1 =	sshrl.u32 s1, $0x2  }
0xba: {  	s3 =	sand.u32 $0x4000, s31;
	s1 =	sadd.s32 s1, s30  }
0xbb: {  	s0 =	sor.u32 s3, s0;
	s1 =	sshll.u32 s1, $0x11  }
0xbc: {  	s0 =	sor.u32 s1, s0  }
0xbd: {  	s0 =	sadd.s32 $0x8F2B, s0  }
0xbe: {  	[sflag:s0] =	ssyncadd.remote.s32 $0x1  }
0xbf: {  	_ =	sfence.sel $0xFFFF  }
0xc0: {  	[dreg:$0x0] =	wrdreg $0xFFFFFFFF;
	(pc) =	sbr.abs _section_cstart, $3  }
0xc1: {  	[dreg:$0x1] =	wrdreg $0xFFFFFFFF  }
0xc2: {  	_ =	task.clear_ibuf [dreg:s7], $0x2FFFF;
	_ =	strace $0x9FFFFFFF  }
0xc3: {  	(tm) =	ssettm $0x7FFFFFFF  }
tec
execute0_lowered:
.L_overlay_start_1:
0x0: {  	(tag) =	ssettag $0x1  }
0x1: {  	s5 =	rddreg [dreg:$0x0]  }
0x2: {  	s1 =	rddreg [dreg:$0x1]  }
0x3: {  	s2 =	rddreg [dreg:$0x2]  }
0x4: {  	s0 =	rddreg [dreg:$0x3];
	s3 =	simm.s32 $0x0  }
0x5: {  	s4 =	srdreg.scid;
	s14 =	simm.s32 $0x100;
	s15 =	simm.s32 $0x4100  }
0x6: {  	s16 =	simm.s32 $0x400;
	s6 =	sand.u32 $0x1, s4;
	s4 =	stileid.u32  }
0x7: {  	s17 =	simm.s32 $0x0;
	[smem:$0x7FF] =	sst s3;
	s9 =	smul.u32 $0x14000, s4  }
0x8: {  	_ =	strace $0x80000047;
	s7 =	sshll.u32 s6, $0x4;
	s22 =	smul.u32 $0x140000, s6  }
0x9: {  	s8 =	sshll.u32 s6, $0x9;
	s12 =	sshll.u32 s4, $0x7;
	s24 =	smul.u32 $0x50000, s4  }
0xa: {  	s6 =	ssub.s32 $0x2, s6;
	s30 =	sshll.u32 s4, $0x6;
	s31 =	sshll.u32 s4, $0x5  }
0xb: {  	s7 =	sor.u32 s4, s7;
	s10 =	sadd.s32 s8, s5;
	s23 =	sand.u32 $0x380, s12  }
0xc: {  	s26 =	sshrl.u32 s6, $0x1;
	s12 =	simm.s32 $0x1;
	s7 =	sshrl.u32 s7, $0x3  }
0xd: {  	s11 =	sshrl.u32 s9, $0x3;
	s8 =	sadd.s32 s9, s22;
	s28 =	sshrl.u32 s24, $0x2  }
0xe: {  	s29 =	ssub.s32 s6, s26;
	s6 =	sor.u32 $0x1C01, s30;
	s7 =	smul.u32 $0x14000, s7  }
0xf: {  	s10 =	sadd.s32 s31, s10;
	s11 =	sadd.s32 s11, s5;
	s8 =	sshrl.u32 s8, $0x3  }
0x10: {  	s13 =	sadd.s32 s28, s2;
	s9 =	smax.u32 s29, $0x1;
	s7 =	sor.u32 s23, s7  }
0x11: {  	s10 =	sadd.s32 $0x1400, s10;
	s8 =	sadd.s32 s8, s5;
	s7 =	sshrl.u32 s7, $0x3  }
0x12: {  	s25 =	sadd.s32 s7, s5;
	s5 =	sadd.s32 $0x15000, s11;
	s7 =	sadd.s32 $0x3D000, s8  }
0x13: {  	v0 =	vimm.f32 $0.0e+00;
	v1 =	vimm.f32 $1.000000000e+00;
	s11 =	sshrl.u32 s13, $0x3;
	s13 =	simm.s32 $0x80;
	s8 =	sadd.s32 $0x8D000, s25  }
.LBB2_1:
0x14: {  	[spmem:s11], [sflag:s6] =	dma.local [hbm:s5], $0x2800  }
0x15: {  	_ =	swait.ge [sflag:s12], $0x2800  }
0x16: {  	[sflag:s12] =	ssyncset.done $0x0  }
0x17: {  	s18 =	simm.s32 $0x40;
	s19 =	simm.s32 $0x0;
	[sflag:s12] =	ssyncadd.s32 $0xFFFFD800  }
.LBB2_2:
0x18: {  	p0 =	sne.s32 s18, $0x9FC0;
	[tilespmem:s19+$0x4100] =	vst v0;
	s19 =	smov.u32 s18;
	s18 =	sadd.s32 $0x40, s18  }
.Ltmp0:
0x19: {  	(pc) =	sbr.rel @p0 .LBB2_2-.Ltmp0, $2  }
0x1a: {  	_ =	sdelay $0x2  }
0x1b: {  	s19 =	sshra.s32 s19, $0x2  }
0x1c: {  	[tilespmem:s19+$0x4100] =	vst v0  }
0x1d: {  	s18 =	simm.s32 $0x0;
	[bflag:$0x0] =	sbarrier.arrive $0xFFFF  }
.LBB2_4:
0x1e: {  	s19 =	sadd.s32 s18, s10  }
0x1f: {  	[tilespmem:s3], [sflag:$0x1] =	stream.linear.gather [hbm4b:s19+s3], $0x100, $0x38;
	[tilespmem:$0x1A900] =	vst v63  }
0x20: {  	_ =	swait.ge [sflag:s12], $0x100  }
0x21: {  	[sflag:s12] =	ssyncset.done $0x0  }
0x22: {  	[sflag:s12] =	ssyncadd.s32 $0xFFFFFF00  }
0x23: {  	[tilespmem:s14], [sflag:$0x1] =	stream.indirect.gather [hbm4b:s1+s13], $0x80, s3, s13, $0xb8;
	[tilespmem:$0x1A900] =	vst v63  }
0x24: {  	_ =	swait.ge [sflag:s12], $0x4000  }
0x25: {  	[sflag:s12] =	ssyncset.done $0x0  }
0x26: {  	[sflag:s12] =	ssyncadd.s32 $0xFFFFC000  }
0x27: {  	[spmem:s2] =	stream.indirect.scatter.add.f32 [tilespmem:s14], [sflag:$0x1], $0x80, s13, s13, $0xb8;
	[tilespmem:$0x1A900] =	vst v63  }
0x28: {  	_ =	swait.ge [sflag:s12], $0x4000  }
0x29: {  	[sflag:s12] =	ssyncset.done $0x0  }
0x2a: {  	[sflag:s12] =	ssyncadd.s32 $0xFFFFC000  }
0x2b: {  	v2 =	vld [tilespmem:$0x80];
	_ =	sdelay $0x7  }
0x2c: {  	[tilespmem:v2+s15+$0x0] =	vst.idx.add.f32.msk $0xffff, v1  }
0x2d: {  	v2 =	vld [tilespmem:$0x90];
	_ =	sdelay $0x7  }
0x2e: {  	[tilespmem:v2+s15+$0x0] =	vst.idx.add.f32.msk $0xffff, v1  }
0x2f: {  	v2 =	vld [tilespmem:$0xA0];
	_ =	sdelay $0x7  }
0x30: {  	[tilespmem:v2+s15+$0x0] =	vst.idx.add.f32.msk $0xffff, v1  }
0x31: {  	v2 =	vld [tilespmem:$0xB0];
	_ =	sdelay $0x7  }
0x32: {  	[tilespmem:v2+s15+$0x0] =	vst.idx.add.f32.msk $0xffff, v1  }
0x33: {  	v2 =	vld [tilespmem:$0xC0];
	_ =	sdelay $0x7  }
0x34: {  	[tilespmem:v2+s15+$0x0] =	vst.idx.add.f32.msk $0xffff, v1  }
0x35: {  	v2 =	vld [tilespmem:$0xD0];
	_ =	sdelay $0x7  }
0x36: {  	[tilespmem:v2+s15+$0x0] =	vst.idx.add.f32.msk $0xffff, v1  }
0x37: {  	v2 =	vld [tilespmem:$0xE0];
	_ =	sdelay $0x7  }
0x38: {  	[tilespmem:v2+s15+$0x0] =	vst.idx.add.f32.msk $0xffff, v1  }
0x39: {  	v2 =	vld [tilespmem:$0xF0];
	_ =	sdelay $0x2  }
0x3a: {  	p0 =	sne.s32 s18, $0x13800  }
.Ltmp1:
0x3b: {  	_ = 	snop;
	(pc) =	sbr.rel @p0 .LBB2_4-.Ltmp1, $2  }
0x3c: {  	_ =	sdelay $0x2  }
0x3d: {  	s18 =	sadd.s32 $0x400, s18;
	[tilespmem:v2+s15+$0x0] =	vst.idx.add.f32.msk $0xffff, v1  }
0x3e: {  	[bflag:$0x0] =	sbarrier.arrive $0xFFFF  }
0x3f: {  	[hbm:s7], [sflag:s6] =	dma.local [spmem:s11], $0x2800  }
0x40: {  	s17 =	sadd.s32 $0x1, s17;
	_ =	swait.ge [sflag:s12], $0x2800  }
0x41: {  	p0 =	sne.s32 s17, s9;
	[sflag:s12] =	ssyncset.done $0x0  }
.Ltmp2:
0x42: {  	[sflag:s12] =	ssyncadd.s32 $0xFFFFD800;
	(pc) =	sbr.rel @p0 .LBB2_1-.Ltmp2, $4  }
0x43: {  	[hbm4b:s8+s13] =	stream.strided.scatter [tilespmem:s15], [sflag:$0x1], $0x2800, s16, s13, $0x38;
	[tilespmem:$0x1A900] =	vst v63  }
0x44: {  	_ =	swait.ge [sflag:s12], $0x2800  }
0x45: {  	[sflag:s12] =	ssyncset.done $0x0  }
0x46: {  	[sflag:s12] =	ssyncadd.s32 $0xFFFFD800  }
0x47: {  	_ =	sfence.sel $0x180000  }
0x48: {  	[bflag:$0x0] =	sbarrier.arrive $0xFFFF  }
0x49: {  	p0 =	sne.s32 s4, $0x0;
	_ =	strace $0x90000047  }
0x4a: {  	s0 =	sadd.s32 @!p0 $0x100000, s0;
	[bflag:$0x2] =	sbarrier.arrive $0xFFFF  }
0x4b: {  	[sflag:s0] =	ssyncadd.tile.s32 @!p0 $0x1;
	_ =	shalt  }
.Lfunc_end2:
_tile_overlayer_lowered:
.L_overlay_start_2:
0x4c: {  	(tag) =	ssettag $0x2  }
0x4d: {  	s0 =	rddreg [dreg:$0x0];
	s2 =	stileid.u32  }
0x4e: {  	s1 =	rddreg [dreg:$0x1];
	p0 =	sne.s32 s2, $0x0  }
0x4f: {  	s3 =	rddreg [dreg:$0x2];
	[bflag:$0x3] =	sbarrier.arrive $0xFFFF;
	s2 =	simm.s32 @!p0 $0x1C01  }
0x50: {  	[timem:s3], [sflag:s2] =	dma.local @!p0 [hbm:s0], s1  }
0x51: {  	s0 =	simm.s32 @!p0 $0x1  }
0x52: {  	_ =	swait.ge @!p0 [sflag:s0], s1  }
0x53: {  	s1 =	ssub.s32 @!p0 $0x0, s1;
	[sflag:s0] =	ssyncset.done @!p0 $0x0  }
0x54: {  	[sflag:s0] =	ssyncadd.s32 @!p0 s1  }
0x55: {  	[bflag:$0x3] =	sbarrier.arrive $0xFFFF  }
0x56: {  	_ =	shalt  }

</sc_bundles>
